<compile_context>
chip_gen: v7x
topology: tpu7x:2x2x1
jax: 0.10.2.dev20260603
libtpu: 0.0.44.dev20260713+nightly
codegen_flags: <defaults>
</compile_context>

<pallas_src>
import functools

import jax
import jax.numpy as jnp
from jax import lax
from jax.experimental import pallas as pl
from jax.experimental.pallas import tpu as pltpu
from jax.experimental.pallas import tpu_sc as plsc

_B = 4096
_L = 200
_D = 16
_NSP = 26
_SV = 100000

_NW = 32
_SEQ_PW = _B * _L // _NW
_ITEM_PW = _B // _NW
_SP_PW = _B * _NSP // _NW
_CH = 1600
_NCH = _SEQ_PW // _CH

_BB = 32
_LP = _L // 8
_PR = _BB * _LP


def _sc_gather_body(seq_tab, sp_tab, seq_idx, item_idx, sp_idx,
                    out_seq, out_item, out_sp,
                    idxv, rowsv, iidxv, irowsv, spidxv, sprowsv, sem):
    nc = 2
    wid = lax.axis_index("s") * nc + lax.axis_index("c")
    base = wid * _SEQ_PW

    pltpu.sync_copy(seq_idx.at[pl.ds(base, _SEQ_PW)], idxv)

    def chunk(j, carry):
        off = j * _CH
        pltpu.async_copy(seq_tab.at[idxv.at[pl.ds(off, _CH)]], rowsv, sem).wait()
        pltpu.sync_copy(rowsv, out_seq.at[pl.ds(base + off, _CH)])
        return carry

    lax.fori_loop(0, _NCH, chunk, 0)

    ibase = wid * _ITEM_PW
    pltpu.sync_copy(item_idx.at[pl.ds(ibase, _ITEM_PW)], iidxv)
    pltpu.async_copy(seq_tab.at[iidxv], irowsv, sem).wait()
    pltpu.sync_copy(irowsv, out_item.at[pl.ds(ibase, _ITEM_PW)])

    sbase = wid * _SP_PW
    pltpu.sync_copy(sp_idx.at[pl.ds(sbase, _SP_PW)], spidxv)
    pltpu.async_copy(sp_tab.at[spidxv], sprowsv, sem).wait()
    pltpu.sync_copy(sprowsv, out_sp.at[pl.ds(sbase, _SP_PW)])


def _sc_gather(seq_table, sp_table_flat, seq_idx_flat, item_idx, sp_idx_flat):
    mesh = plsc.VectorSubcoreMesh(core_axis_name="c", subcore_axis_name="s")
    f = pl.kernel(
        _sc_gather_body,
        out_type=[
            jax.ShapeDtypeStruct((_B * _L, _D), jnp.float32),
            jax.ShapeDtypeStruct((_B, _D), jnp.float32),
            jax.ShapeDtypeStruct((_B * _NSP, _D), jnp.float32),
        ],
        mesh=mesh,
        scratch_types=[
            pltpu.VMEM((_SEQ_PW,), jnp.int32),
            pltpu.VMEM((_CH, _D), jnp.float32),
            pltpu.VMEM((_ITEM_PW,), jnp.int32),
            pltpu.VMEM((_ITEM_PW, _D), jnp.float32),
            pltpu.VMEM((_SP_PW,), jnp.int32),
            pltpu.VMEM((_SP_PW, _D), jnp.float32),
            pltpu.SemaphoreType.DMA,
        ],
        compiler_params=pltpu.CompilerParams(use_tc_tiling_on_sc=False),
    )
    return f(seq_table, sp_table_flat, seq_idx_flat, item_idx, sp_idx_flat)


def _tc_body(xp_ref, m128_ref, q128_ref, item2_ref, dense_ref, sp_ref,
             s_ref, w8s_ref, w8m_ref, w1q8_ref, b18_ref, w28_ref, b28_ref,
             wf8_ref, r8_ref, f8_ref,
             fw1u_ref, fw1i_ref, fw1d_ref, fw1s_ref, fb1_ref, fw2_ref,
             fb2_ref, ow_ref, ob_ref, out_ref):
    xp = xp_ref[:]
    item2 = item2_ref[:]
    sel = s_ref[:]
    q128 = sel @ q128_ref[:]

    qcon = item2 @ w1q8_ref[:] + b18_ref[:]
    h1 = xp @ w8s_ref[:] + (q128 * xp) @ w8m_ref[:] + sel @ qcon
    h1 = jnp.maximum(h1, 0.0)
    h2 = jnp.maximum(h1 @ w28_ref[:] + b28_ref[:], 0.0)
    logits8 = (h2 @ wf8_ref[:]).reshape(_BB, _LP, 8)

    m128 = m128_ref[:].reshape(_BB * _L // 128, 128)
    maskp = jnp.stack([m128[:, 8 * s:8 * (s + 1)] for s in range(16)],
                      axis=1).reshape(_BB, _LP, 8)
    lm = jnp.where(maskp > 0.5, logits8, -1e30)
    m = jnp.max(lm, axis=(1, 2), keepdims=True)
    e = jnp.exp(lm - m)
    w = (e / jnp.sum(e, axis=(1, 2), keepdims=True)).reshape(_PR, 8)
    wexp = w @ r8_ref[:]
    t = (wexp * xp).reshape(_BB, _LP, 128)
    user2 = jnp.sum(t, axis=1) @ f8_ref[:]

    h = (user2 @ fw1u_ref[:] + item2_ref[:] @ fw1i_ref[:]
         + dense_ref[:] @ fw1d_ref[:] + sp_ref[:] @ fw1s_ref[:] + fb1_ref[:])
    h = jnp.maximum(h, 0.0)
    h = jnp.maximum(h @ fw2_ref[:] + fb2_ref[:], 0.0)
    z = h @ ow_ref[:] + ob_ref[:]
    out_ref[:] = 1.0 / (1.0 + jnp.exp(-z))


def _tc_fused(xp, m128, q128, item2, dense, sp2,
              sel, w8s, w8m, w1q8, b18, w28, b28, wf8, r8, f8,
              fw1u, fw1i, fw1d, fw1s, fb1, fw2, fb2, ow, ob):
    nblk = _B // _BB

    def bcol(shape):
        return pl.BlockSpec(shape, lambda i: (i,) + (0,) * (len(shape) - 1))

    def full(shape):
        return pl.BlockSpec(shape, lambda i: (0,) * len(shape))

    return pl.pallas_call(
        _tc_body,
        grid=(nblk,),
        in_specs=[
            bcol((_PR, 128)),
            bcol((1, _BB * _L // 128, 128)),
            bcol((_BB, 128)),
            bcol((_BB, _D)),
            bcol((_BB, 13)),
            bcol((_BB, _NSP * _D)),
            full((_PR, _BB)),
            full((128, 640)), full((128, 640)), full((_D, 640)),
            full((1, 640)), full((640, 320)), full((1, 320)),
            full((320, 8)), full((8, 128)), full((128, _D)),
            full((_D, 80)), full((_D, 80)), full((13, 80)),
            full((_NSP * _D, 80)), full((1, 80)),
            full((80, 40)), full((1, 40)), full((40, 1)), full((1, 1)),
        ],
        out_specs=bcol((_BB, 1)),
        out_shape=jax.ShapeDtypeStruct((_B, 1), jnp.float32),
        compiler_params=pltpu.CompilerParams(
            dimension_semantics=("arbitrary",),
        ),
    )(xp, m128, q128, item2, dense, sp2,
      sel, w8s, w8m, w1q8, b18, w28, b28, wf8, r8, f8,
      fw1u, fw1i, fw1d, fw1s, fb1, fw2, fb2, ow, ob)


def kernel(dense_inputs, sparse_inputs, seq_inputs, item_inputs, seq_table,
           sparse_tables, att_W1, att_b1, att_W2, att_b2, att_Wf, att_bf,
           bn_gamma, bn_beta, ffn_W1, ffn_b1, ffn_W2, ffn_b2, out_W, out_b):
    del att_bf
    seq_idx = seq_inputs[:, :, 0]
    seq_idx_flat = seq_idx.reshape(_B * _L)
    item_idx = item_inputs[:, 0]
    sp_idx_flat = (sparse_inputs
                   + jnp.arange(_NSP, dtype=jnp.int32)[None, :] * _SV
                   ).reshape(_B * _NSP)
    seq_lin = lax.optimization_barrier(
        seq_table.reshape(-1)).reshape(seq_table.shape[0], _D)
    sp_table_flat = lax.optimization_barrier(
        sparse_tables.reshape(-1)).reshape(_NSP * _SV, _D)

    seq_rows, item_rows, sp_rows = _sc_gather(
        seq_lin, sp_table_flat, seq_idx_flat, item_idx, sp_idx_flat)

    w1q = att_W1[0:_D] + att_W1[2 * _D:3 * _D]
    w1s = att_W1[_D:2 * _D] - att_W1[2 * _D:3 * _D]
    w1m = att_W1[3 * _D:4 * _D]
    eye8 = jnp.eye(8, dtype=jnp.float32)
    w8s = jnp.kron(eye8, w1s)
    w8m = jnp.kron(eye8, w1m)
    w1q8 = jnp.tile(w1q, (1, 8))
    b18 = jnp.tile(att_b1.reshape(1, 80), (1, 8))
    w28 = jnp.kron(eye8, att_W2)
    b28 = jnp.tile(att_b2.reshape(1, 40), (1, 8))
    wf8 = jnp.kron(eye8, att_Wf)
    r8 = jnp.kron(eye8, jnp.ones((1, _D), jnp.float32))
    sel = jnp.kron(jnp.eye(_BB, dtype=jnp.float32),
                   jnp.ones((_LP, 1), jnp.float32))
    f8 = jnp.kron(jnp.ones((8, 1), jnp.float32),
                  jnp.eye(_D, dtype=jnp.float32))
    scale = (bn_gamma * (1.0 / jnp.sqrt(1.0 + 1e-3)))[:, None] * ffn_W1
    fw1u = scale[0:_D]
    fw1i = scale[_D:2 * _D]
    fw1d = scale[2 * _D:2 * _D + 13]
    fw1s = scale[2 * _D + 13:]
    fb1 = (bn_beta @ ffn_W1 + ffn_b1).reshape(1, 80)
    fb2 = ffn_b2.reshape(1, 40)
    ob = out_b.reshape(1, 1)

    xp = seq_rows.reshape(_B * _L * _D // 128, 128)
    m128 = (seq_idx_flat != 0).astype(jnp.float32).reshape(
        _B // _BB, _BB * _L // 128, 128)
    q128 = jnp.tile(item_rows, (1, 8))

    return _tc_fused(xp, m128, q128, item_rows,
                     dense_inputs, sp_rows.reshape(_B, _NSP * _D),
                     sel, w8s, w8m, w1q8, b18, w28, b28, wf8, r8, f8,
                     fw1u, fw1i, fw1d, fw1s, fb1, ffn_W2, fb2, out_W, ob)

# --- scband reference (transcript-rebuilt; emitter-appended) ---
"""Pipeline reference for scband-din-45689862095045 (READ-ONLY COPY).

The authoritative reference and input builder live on the scoring server;
editing this copy changes nothing except your own understanding.
"""

import jax, jax.numpy as jnp
import numpy as np

B = 4096
MAXLEN = 200
N_SPARSE = 26
SPARSE_VOCAB = 100000
SEQ_VOCAB = 1000000
D = 16
DENSE_LEN = 13
INFO_DIM = D + D + DENSE_LEN + N_SPARSE * D  # 461


def _dense_params(key, fan_in, fan_out):
    k1, _ = jax.random.split(key)
    lim = float(np.sqrt(6.0 / (fan_in + fan_out)))
    W = jax.random.uniform(k1, (fan_in, fan_out), minval=-lim, maxval=lim, dtype=jnp.float32)
    b = jnp.zeros((fan_out,), jnp.float32)
    return W, b


def _prelu(x):
    # keras PReLU default alpha_initializer='zeros' -> identical to relu at init
    return jax.nn.relu(x)


def setup_inputs(seed: int = 0):
    key = jax.random.key(seed)
    ks = jax.random.split(key, 12)
    dense_inputs = jax.random.normal(ks[0], (B, DENSE_LEN), dtype=jnp.float32)
    sparse_inputs = jax.random.randint(ks[1], (B, N_SPARSE), 0, SPARSE_VOCAB, dtype=jnp.int32)
    seq_inputs = jax.random.randint(ks[2], (B, MAXLEN, 1), 0, SEQ_VOCAB, dtype=jnp.int32)
    item_inputs = jax.random.randint(ks[3], (B, 1), 0, SEQ_VOCAB, dtype=jnp.int32)
    seq_table = jax.random.uniform(ks[4], (SEQ_VOCAB, D), minval=-0.05, maxval=0.05, dtype=jnp.float32)
    sparse_tables = jax.random.uniform(ks[5], (N_SPARSE, SPARSE_VOCAB, D), minval=-0.05, maxval=0.05, dtype=jnp.float32)
    att_W1, att_b1 = _dense_params(ks[6], 4 * D, 80)
    att_W2, att_b2 = _dense_params(ks[7], 80, 40)
    att_Wf, att_bf = _dense_params(ks[8], 40, 1)
    bn_gamma = jnp.ones((INFO_DIM,), jnp.float32)
    bn_beta = jnp.zeros((INFO_DIM,), jnp.float32)
    ffn_W1, ffn_b1 = _dense_params(ks[9], INFO_DIM, 80)
    ffn_W2, ffn_b2 = _dense_params(ks[10], 80, 40)
    out_W, out_b = _dense_params(ks[11], 40, 1)
    return {
        'dense_inputs': dense_inputs, 'sparse_inputs': sparse_inputs,
        'seq_inputs': seq_inputs, 'item_inputs': item_inputs,
        'seq_table': seq_table, 'sparse_tables': sparse_tables,
        'att_W1': att_W1, 'att_b1': att_b1, 'att_W2': att_W2, 'att_b2': att_b2,
        'att_Wf': att_Wf, 'att_bf': att_bf,
        'bn_gamma': bn_gamma, 'bn_beta': bn_beta,
        'ffn_W1': ffn_W1, 'ffn_b1': ffn_b1, 'ffn_W2': ffn_W2, 'ffn_b2': ffn_b2,
        'out_W': out_W, 'out_b': out_b,
    }


def reference(dense_inputs, sparse_inputs, seq_inputs, item_inputs,
              seq_table, sparse_tables,
              att_W1, att_b1, att_W2, att_b2, att_Wf, att_bf,
              bn_gamma, bn_beta,
              ffn_W1, ffn_b1, ffn_W2, ffn_b2, out_W, out_b):
    mask = (seq_inputs[:, :, 0] != 0).astype(jnp.float32)
    # other sparse feature embedding lookups (26 tables, stacked)
    field_ids = jnp.arange(N_SPARSE)[None, :]
    sparse_emb = sparse_tables[field_ids, sparse_inputs]  # [B, 26, D]
    other_info = jnp.concatenate([dense_inputs, sparse_emb.reshape(sparse_emb.shape[0], -1)], axis=-1)
    # behavior sequence + candidate item embedding lookups
    seq_embed = jnp.take(seq_table, seq_inputs[:, :, 0], axis=0)   # [B, L, D]
    item_embed = jnp.take(seq_table, item_inputs[:, 0], axis=0)    # [B, D]
    # DIN attention layer
    q = jnp.broadcast_to(item_embed[:, None, :], seq_embed.shape)
    info = jnp.concatenate([q, seq_embed, q - seq_embed, q * seq_embed], axis=-1)
    info = _prelu(info @ att_W1 + att_b1)
    info = _prelu(info @ att_W2 + att_b2)
    att_logits = (info @ att_Wf + att_bf)[:, :, 0]                 # [B, L]
    paddings = jnp.full_like(att_logits, -2.0 ** 32 + 1.0)
    att_logits = jnp.where(mask == 0.0, paddings, att_logits)
    att_w = jax.nn.softmax(att_logits, axis=-1)
    user_info = jnp.einsum('bl,bld->bd', att_w, seq_embed)         # [B, D]
    info_all = jnp.concatenate([user_info, item_embed, other_info], axis=-1)
    # BatchNorm (inference: moving_mean=0, moving_var=1, eps=1e-3)
    info_all = info_all * (1.0 / jnp.sqrt(1.0 + 1e-3)) * bn_gamma + bn_beta
    h = _prelu(info_all @ ffn_W1 + ffn_b1)
    h = _prelu(h @ ffn_W2 + ffn_b2)
    return jax.nn.sigmoid(h @ out_W + out_b)

if __name__ == "__main__":
    import jax
    _d = setup_inputs()
    print(jax.jit(kernel)(*tuple(_d.values())))

</pallas_src>

<mosaic_0001>
#map = affine_map<(d0, d1) -> (0, 0)>
#map1 = affine_map<(d0, d1) -> (0)>
module attributes {stable_mosaic.version = 14 : i64} {
  func.func @_sc_gather_body(%arg0: i32, %arg1: i32, %arg2: memref<1000000x16xf32, #tpu.memory_space<hbm>>, %arg3: memref<2600000x16xf32, #tpu.memory_space<hbm>>, %arg4: memref<819200xi32, #tpu.memory_space<hbm>>, %arg5: memref<4096xi32, #tpu.memory_space<hbm>>, %arg6: memref<106496xi32, #tpu.memory_space<hbm>>, %arg7: memref<819200x16xf32, #tpu.memory_space<hbm>>, %arg8: memref<4096x16xf32, #tpu.memory_space<hbm>>, %arg9: memref<106496x16xf32, #tpu.memory_space<hbm>>, %arg10: memref<25600xi32, #tpu.memory_space<vmem>>, %arg11: memref<1600x16xf32, #tpu.memory_space<vmem>>, %arg12: memref<128xi32, #tpu.memory_space<vmem>>, %arg13: memref<128x16xf32, #tpu.memory_space<vmem>>, %arg14: memref<3328xi32, #tpu.memory_space<vmem>>, %arg15: memref<3328x16xf32, #tpu.memory_space<vmem>>, %arg16: memref<!tpu.dma_semaphore, #tpu.memory_space<semaphore_mem>>) attributes {dimension_semantics = [#tpu.dimension_semantics<core_parallel>, #tpu.dimension_semantics<subcore_parallel>], iteration_bounds = array<i64: 2, 16>, scalar_prefetch = 0 : i64, scratch_operands = 7 : i64, tpu.core_type = #tpu.core_type<sc_vector_subcore>, window_params = [{transform_indices = #map}, {transform_indices = #map}, {transform_indices = #map1}, {transform_indices = #map1}, {transform_indices = #map1}, {transform_indices = #map}, {transform_indices = #map}, {transform_indices = #map}]} {
    %mul3A = arith.constant 2 : i32
    %mul3A_0 = arith.muli %arg1, %mul3A : i32
    %add3A = arith.addi %mul3A_0, %arg0 : i32
    %mul3A_1 = arith.constant 25600 : i32
    %mul3A_2 = arith.muli %add3A, %mul3A_1 : i32
    "tpu.region"() ({
      %run_scoped3A = tpu.sem_alloc : memref<!tpu.dma_semaphore, #tpu.memory_space<semaphore_mem>>
      %dma_start3A_22 = tpu.memref_slice %arg4[%mul3A_2] : memref<819200xi32, #tpu.memory_space<hbm>> -> memref<25600xi32, #tpu.memory_space<hbm>>
      %dma_start3A_23 = tpu.memref_slice %arg4[%mul3A_2] : memref<819200xi32, #tpu.memory_space<hbm>> -> memref<25600xi32, #tpu.memory_space<hbm>>
      tpu.enqueue_dma source(%dma_start3A_23 : memref<25600xi32, #tpu.memory_space<hbm>>) target(%arg10 : memref<25600xi32, #tpu.memory_space<vmem>>) target_semaphore(%run_scoped3A : memref<!tpu.dma_semaphore, #tpu.memory_space<semaphore_mem>>)
      %dma_wait3A_24 = tpu.memref_slice %arg4[%mul3A_2] : memref<819200xi32, #tpu.memory_space<hbm>> -> memref<25600xi32, #tpu.memory_space<hbm>>
      %dma_wait3A_25 = tpu.memref_slice %arg4[%mul3A_2] : memref<819200xi32, #tpu.memory_space<hbm>> -> memref<25600xi32, #tpu.memory_space<hbm>>
      tpu.wait_dma2 semaphore(%run_scoped3A : memref<!tpu.dma_semaphore, #tpu.memory_space<semaphore_mem>>) src(%dma_wait3A_25 : memref<25600xi32, #tpu.memory_space<hbm>>) dst(%arg10 : memref<25600xi32, #tpu.memory_space<vmem>>)
      tpu.yield
    }) : () -> ()
    %scan3A = arith.constant 0 : i32
    %scan3A_3 = arith.constant 0 : i32
    %scan3A_4 = arith.constant 16 : i32
    %scan3A_5 = arith.addi %scan3A_3, %scan3A_4 : i32
    %scan3A_6 = arith.constant 1 : i32
    scf.for %scan3A_22 = %scan3A_3 to %scan3A_5 step %scan3A_6  : i32 {
      %mul3A_23 = arith.constant 1600 : i32
      %mul3A_24 = arith.muli %scan3A_22, %mul3A_23 : i32
      %dma_start3A_25 = tpu.memref_slice %arg10[%mul3A_24] : memref<25600xi32, #tpu.memory_space<vmem>> -> memref<1600xi32, #tpu.memory_space<vmem>>
      %dma_start3A_26 = arith.constant 0 : i32
      %dma_start3A_27 = arith.constant 0 : i32
      %dma_start3A_28 = tpu.memref_slice %arg2[%dma_start3A_26, %dma_start3A_27] : memref<1000000x16xf32, #tpu.memory_space<hbm>> -> memref<1000000x16xf32, #tpu.memory_space<hbm>>
      tpu.enqueue_indirect_dma source(%dma_start3A_28 : memref<1000000x16xf32, #tpu.memory_space<hbm>>) target(%arg11 : memref<1600x16xf32, #tpu.memory_space<vmem>>) offsets(%dma_start3A_25 : memref<1600xi32, #tpu.memory_space<vmem>>) semaphore(%arg16 : memref<!tpu.dma_semaphore, #tpu.memory_space<semaphore_mem>>)
      %dma_wait3A_29 = tpu.memref_slice %arg10[%mul3A_24] : memref<25600xi32, #tpu.memory_space<vmem>> -> memref<1600xi32, #tpu.memory_space<vmem>>
      %dma_wait3A_30 = arith.constant 0 : i32
      %dma_wait3A_31 = arith.constant 0 : i32
      %dma_wait3A_32 = tpu.memref_slice %arg2[%dma_wait3A_30, %dma_wait3A_31] : memref<1000000x16xf32, #tpu.memory_space<hbm>> -> memref<1000000x16xf32, #tpu.memory_space<hbm>>
      tpu.wait_indirect_dma semaphore(%arg16 : memref<!tpu.dma_semaphore, #tpu.memory_space<semaphore_mem>>) src(%dma_wait3A_32 : memref<1000000x16xf32, #tpu.memory_space<hbm>>) dst(%arg11 : memref<1600x16xf32, #tpu.memory_space<vmem>>)
      %add3A_33 = arith.addi %mul3A_2, %mul3A_24 : i32
      "tpu.region"() ({
        %run_scoped3A = tpu.sem_alloc : memref<!tpu.dma_semaphore, #tpu.memory_space<semaphore_mem>>
        %dma_start3A_34 = arith.constant 0 : i32
        %dma_start3A_35 = tpu.memref_slice %arg7[%add3A_33, %dma_start3A_34] : memref<819200x16xf32, #tpu.memory_space<hbm>> -> memref<1600x16xf32, #tpu.memory_space<hbm>>
        %dma_start3A_36 = arith.constant 0 : i32
        %dma_start3A_37 = tpu.memref_slice %arg7[%add3A_33, %dma_start3A_36] : memref<819200x16xf32, #tpu.memory_space<hbm>> -> memref<1600x16xf32, #tpu.memory_space<hbm>>
        tpu.enqueue_dma source(%arg11 : memref<1600x16xf32, #tpu.memory_space<vmem>>) target(%dma_start3A_37 : memref<1600x16xf32, #tpu.memory_space<hbm>>) target_semaphore(%run_scoped3A : memref<!tpu.dma_semaphore, #tpu.memory_space<semaphore_mem>>)
        %dma_wait3A_38 = arith.constant 0 : i32
        %dma_wait3A_39 = tpu.memref_slice %arg7[%add3A_33, %dma_wait3A_38] : memref<819200x16xf32, #tpu.memory_space<hbm>> -> memref<1600x16xf32, #tpu.memory_space<hbm>>
        %dma_wait3A_40 = arith.constant 0 : i32
        %dma_wait3A_41 = tpu.memref_slice %arg7[%add3A_33, %dma_wait3A_40] : memref<819200x16xf32, #tpu.memory_space<hbm>> -> memref<1600x16xf32, #tpu.memory_space<hbm>>
        tpu.wait_dma2 semaphore(%run_scoped3A : memref<!tpu.dma_semaphore, #tpu.memory_space<semaphore_mem>>) src(%arg11 : memref<1600x16xf32, #tpu.memory_space<vmem>>) dst(%dma_wait3A_41 : memref<1600x16xf32, #tpu.memory_space<hbm>>)
        tpu.yield
      }) : () -> ()
    }
    %scan3A_7 = arith.constant 16 : i32
    %mul3A_8 = arith.constant 128 : i32
    %mul3A_9 = arith.muli %add3A, %mul3A_8 : i32
    "tpu.region"() ({
      %run_scoped3A = tpu.sem_alloc : memref<!tpu.dma_semaphore, #tpu.memory_space<semaphore_mem>>
      %dma_start3A_22 = tpu.memref_slice %arg5[%mul3A_9] : memref<4096xi32, #tpu.memory_space<hbm>> -> memref<128xi32, #tpu.memory_space<hbm>>
      %dma_start3A_23 = tpu.memref_slice %arg5[%mul3A_9] : memref<4096xi32, #tpu.memory_space<hbm>> -> memref<128xi32, #tpu.memory_space<hbm>>
      tpu.enqueue_dma source(%dma_start3A_23 : memref<128xi32, #tpu.memory_space<hbm>>) target(%arg12 : memref<128xi32, #tpu.memory_space<vmem>>) target_semaphore(%run_scoped3A : memref<!tpu.dma_semaphore, #tpu.memory_space<semaphore_mem>>)
      %dma_wait3A_24 = tpu.memref_slice %arg5[%mul3A_9] : memref<4096xi32, #tpu.memory_space<hbm>> -> memref<128xi32, #tpu.memory_space<hbm>>
      %dma_wait3A_25 = tpu.memref_slice %arg5[%mul3A_9] : memref<4096xi32, #tpu.memory_space<hbm>> -> memref<128xi32, #tpu.memory_space<hbm>>
      tpu.wait_dma2 semaphore(%run_scoped3A : memref<!tpu.dma_semaphore, #tpu.memory_space<semaphore_mem>>) src(%dma_wait3A_25 : memref<128xi32, #tpu.memory_space<hbm>>) dst(%arg12 : memref<128xi32, #tpu.memory_space<vmem>>)
      tpu.yield
    }) : () -> ()
    %dma_start3A = arith.constant 0 : i32
    %dma_start3A_10 = arith.constant 0 : i32
    %dma_start3A_11 = tpu.memref_slice %arg2[%dma_start3A, %dma_start3A_10] : memref<1000000x16xf32, #tpu.memory_space<hbm>> -> memref<1000000x16xf32, #tpu.memory_space<hbm>>
    tpu.enqueue_indirect_dma source(%dma_start3A_11 : memref<1000000x16xf32, #tpu.memory_space<hbm>>) target(%arg13 : memref<128x16xf32, #tpu.memory_space<vmem>>) offsets(%arg12 : memref<128xi32, #tpu.memory_space<vmem>>) semaphore(%arg16 : memref<!tpu.dma_semaphore, #tpu.memory_space<semaphore_mem>>)
    %dma_wait3A = arith.constant 0 : i32
    %dma_wait3A_12 = arith.constant 0 : i32
    %dma_wait3A_13 = tpu.memref_slice %arg2[%dma_wait3A, %dma_wait3A_12] : memref<1000000x16xf32, #tpu.memory_space<hbm>> -> memref<1000000x16xf32, #tpu.memory_space<hbm>>
    tpu.wait_indirect_dma semaphore(%arg16 : memref<!tpu.dma_semaphore, #tpu.memory_space<semaphore_mem>>) src(%dma_wait3A_13 : memref<1000000x16xf32, #tpu.memory_space<hbm>>) dst(%arg13 : memref<128x16xf32, #tpu.memory_space<vmem>>)
    "tpu.region"() ({
      %run_scoped3A = tpu.sem_alloc : memref<!tpu.dma_semaphore, #tpu.memory_space<semaphore_mem>>
      %dma_start3A_22 = arith.constant 0 : i32
      %dma_start3A_23 = tpu.memref_slice %arg8[%mul3A_9, %dma_start3A_22] : memref<4096x16xf32, #tpu.memory_space<hbm>> -> memref<128x16xf32, #tpu.memory_space<hbm>>
      %dma_start3A_24 = arith.constant 0 : i32
      %dma_start3A_25 = tpu.memref_slice %arg8[%mul3A_9, %dma_start3A_24] : memref<4096x16xf32, #tpu.memory_space<hbm>> -> memref<128x16xf32, #tpu.memory_space<hbm>>
      tpu.enqueue_dma source(%arg13 : memref<128x16xf32, #tpu.memory_space<vmem>>) target(%dma_start3A_25 : memref<128x16xf32, #tpu.memory_space<hbm>>) target_semaphore(%run_scoped3A : memref<!tpu.dma_semaphore, #tpu.memory_space<semaphore_mem>>)
      %dma_wait3A_26 = arith.constant 0 : i32
      %dma_wait3A_27 = tpu.memref_slice %arg8[%mul3A_9, %dma_wait3A_26] : memref<4096x16xf32, #tpu.memory_space<hbm>> -> memref<128x16xf32, #tpu.memory_space<hbm>>
      %dma_wait3A_28 = arith.constant 0 : i32
      %dma_wait3A_29 = tpu.memref_slice %arg8[%mul3A_9, %dma_wait3A_28] : memref<4096x16xf32, #tpu.memory_space<hbm>> -> memref<128x16xf32, #tpu.memory_space<hbm>>
      tpu.wait_dma2 semaphore(%run_scoped3A : memref<!tpu.dma_semaphore, #tpu.memory_space<semaphore_mem>>) src(%arg13 : memref<128x16xf32, #tpu.memory_space<vmem>>) dst(%dma_wait3A_29 : memref<128x16xf32, #tpu.memory_space<hbm>>)
      tpu.yield
    }) : () -> ()
    %mul3A_14 = arith.constant 3328 : i32
    %mul3A_15 = arith.muli %add3A, %mul3A_14 : i32
    "tpu.region"() ({
      %run_scoped3A = tpu.sem_alloc : memref<!tpu.dma_semaphore, #tpu.memory_space<semaphore_mem>>
      %dma_start3A_22 = tpu.memref_slice %arg6[%mul3A_15] : memref<106496xi32, #tpu.memory_space<hbm>> -> memref<3328xi32, #tpu.memory_space<hbm>>
      %dma_start3A_23 = tpu.memref_slice %arg6[%mul3A_15] : memref<106496xi32, #tpu.memory_space<hbm>> -> memref<3328xi32, #tpu.memory_space<hbm>>
      tpu.enqueue_dma source(%dma_start3A_23 : memref<3328xi32, #tpu.memory_space<hbm>>) target(%arg14 : memref<3328xi32, #tpu.memory_space<vmem>>) target_semaphore(%run_scoped3A : memref<!tpu.dma_semaphore, #tpu.memory_space<semaphore_mem>>)
      %dma_wait3A_24 = tpu.memref_slice %arg6[%mul3A_15] : memref<106496xi32, #tpu.memory_space<hbm>> -> memref<3328xi32, #tpu.memory_space<hbm>>
      %dma_wait3A_25 = tpu.memref_slice %arg6[%mul3A_15] : memref<106496xi32, #tpu.memory_space<hbm>> -> memref<3328xi32, #tpu.memory_space<hbm>>
      tpu.wait_dma2 semaphore(%run_scoped3A : memref<!tpu.dma_semaphore, #tpu.memory_space<semaphore_mem>>) src(%dma_wait3A_25 : memref<3328xi32, #tpu.memory_space<hbm>>) dst(%arg14 : memref<3328xi32, #tpu.memory_space<vmem>>)
      tpu.yield
    }) : () -> ()
    %dma_start3A_16 = arith.constant 0 : i32
    %dma_start3A_17 = arith.constant 0 : i32
    %dma_start3A_18 = tpu.memref_slice %arg3[%dma_start3A_16, %dma_start3A_17] : memref<2600000x16xf32, #tpu.memory_space<hbm>> -> memref<2600000x16xf32, #tpu.memory_space<hbm>>
    tpu.enqueue_indirect_dma source(%dma_start3A_18 : memref<2600000x16xf32, #tpu.memory_space<hbm>>) target(%arg15 : memref<3328x16xf32, #tpu.memory_space<vmem>>) offsets(%arg14 : memref<3328xi32, #tpu.memory_space<vmem>>) semaphore(%arg16 : memref<!tpu.dma_semaphore, #tpu.memory_space<semaphore_mem>>)
    %dma_wait3A_19 = arith.constant 0 : i32
    %dma_wait3A_20 = arith.constant 0 : i32
    %dma_wait3A_21 = tpu.memref_slice %arg3[%dma_wait3A_19, %dma_wait3A_20] : memref<2600000x16xf32, #tpu.memory_space<hbm>> -> memref<2600000x16xf32, #tpu.memory_space<hbm>>
    tpu.wait_indirect_dma semaphore(%arg16 : memref<!tpu.dma_semaphore, #tpu.memory_space<semaphore_mem>>) src(%dma_wait3A_21 : memref<2600000x16xf32, #tpu.memory_space<hbm>>) dst(%arg15 : memref<3328x16xf32, #tpu.memory_space<vmem>>)
    "tpu.region"() ({
      %run_scoped3A = tpu.sem_alloc : memref<!tpu.dma_semaphore, #tpu.memory_space<semaphore_mem>>
      %dma_start3A_22 = arith.constant 0 : i32
      %dma_start3A_23 = tpu.memref_slice %arg9[%mul3A_15, %dma_start3A_22] : memref<106496x16xf32, #tpu.memory_space<hbm>> -> memref<3328x16xf32, #tpu.memory_space<hbm>>
      %dma_start3A_24 = arith.constant 0 : i32
      %dma_start3A_25 = tpu.memref_slice %arg9[%mul3A_15, %dma_start3A_24] : memref<106496x16xf32, #tpu.memory_space<hbm>> -> memref<3328x16xf32, #tpu.memory_space<hbm>>
      tpu.enqueue_dma source(%arg15 : memref<3328x16xf32, #tpu.memory_space<vmem>>) target(%dma_start3A_25 : memref<3328x16xf32, #tpu.memory_space<hbm>>) target_semaphore(%run_scoped3A : memref<!tpu.dma_semaphore, #tpu.memory_space<semaphore_mem>>)
      %dma_wait3A_26 = arith.constant 0 : i32
      %dma_wait3A_27 = tpu.memref_slice %arg9[%mul3A_15, %dma_wait3A_26] : memref<106496x16xf32, #tpu.memory_space<hbm>> -> memref<3328x16xf32, #tpu.memory_space<hbm>>
      %dma_wait3A_28 = arith.constant 0 : i32
      %dma_wait3A_29 = tpu.memref_slice %arg9[%mul3A_15, %dma_wait3A_28] : memref<106496x16xf32, #tpu.memory_space<hbm>> -> memref<3328x16xf32, #tpu.memory_space<hbm>>
      tpu.wait_dma2 semaphore(%run_scoped3A : memref<!tpu.dma_semaphore, #tpu.memory_space<semaphore_mem>>) src(%arg15 : memref<3328x16xf32, #tpu.memory_space<vmem>>) dst(%dma_wait3A_29 : memref<3328x16xf32, #tpu.memory_space<hbm>>)
      tpu.yield
    }) : () -> ()
    return
  }
}

module attributes {stable_mosaic.version = 14 : i64} {
  func.func @_tc_body(%arg0: i32, %arg1: memref<800x128xf32, #tpu.memory_space<vmem>>, %arg2: memref<1x50x128xf32, #tpu.memory_space<vmem>>, %arg3: memref<32x128xf32, #tpu.memory_space<vmem>>, %arg4: memref<32x16xf32, #tpu.memory_space<vmem>>, %arg5: memref<32x13xf32, #tpu.memory_space<vmem>>, %arg6: memref<32x416xf32, #tpu.memory_space<vmem>>, %arg7: memref<800x32xf32, #tpu.memory_space<vmem>>, %arg8: memref<128x640xf32, #tpu.memory_space<vmem>>, %arg9: memref<128x640xf32, #tpu.memory_space<vmem>>, %arg10: memref<16x640xf32, #tpu.memory_space<vmem>>, %arg11: memref<1x640xf32, #tpu.memory_space<vmem>>, %arg12: memref<640x320xf32, #tpu.memory_space<vmem>>, %arg13: memref<1x320xf32, #tpu.memory_space<vmem>>, %arg14: memref<320x8xf32, #tpu.memory_space<vmem>>, %arg15: memref<8x128xf32, #tpu.memory_space<vmem>>, %arg16: memref<128x16xf32, #tpu.memory_space<vmem>>, %arg17: memref<16x80xf32, #tpu.memory_space<vmem>>, %arg18: memref<16x80xf32, #tpu.memory_space<vmem>>, %arg19: memref<13x80xf32, #tpu.memory_space<vmem>>, %arg20: memref<416x80xf32, #tpu.memory_space<vmem>>, %arg21: memref<1x80xf32, #tpu.memory_space<vmem>>, %arg22: memref<80x40xf32, #tpu.memory_space<vmem>>, %arg23: memref<1x40xf32, #tpu.memory_space<vmem>>, %arg24: memref<40x1xf32, #tpu.memory_space<vmem>>, %arg25: memref<1x1xf32, #tpu.memory_space<vmem>>, %arg26: memref<32x1xf32, #tpu.memory_space<vmem>>) attributes {dimension_semantics = [#tpu.dimension_semantics<arbitrary>], iteration_bounds = array<i64: 128>, scalar_prefetch = 0 : i64, scratch_operands = 0 : i64, tpu.core_type = #tpu.core_type<tc>, window_params = [{transform_indices = @transform_0, window_bounds = array<i64: 800, 128>}, {transform_indices = @transform_1, window_bounds = array<i64: 1, 50, 128>}, {transform_indices = @transform_2, window_bounds = array<i64: 32, 128>}, {transform_indices = @transform_3, window_bounds = array<i64: 32, 16>}, {transform_indices = @transform_4, window_bounds = array<i64: 32, 13>}, {transform_indices = @transform_5, window_bounds = array<i64: 32, 416>}, {pipeline_mode = #tpu.pipeline_mode<synchronous>, transform_indices = @transform_6, window_bounds = array<i64: 800, 32>}, {pipeline_mode = #tpu.pipeline_mode<synchronous>, transform_indices = @transform_7, window_bounds = array<i64: 128, 640>}, {pipeline_mode = #tpu.pipeline_mode<synchronous>, transform_indices = @transform_8, window_bounds = array<i64: 128, 640>}, {pipeline_mode = #tpu.pipeline_mode<synchronous>, transform_indices = @transform_9, window_bounds = array<i64: 16, 640>}, {pipeline_mode = #tpu.pipeline_mode<synchronous>, transform_indices = @transform_10, window_bounds = array<i64: 1, 640>}, {pipeline_mode = #tpu.pipeline_mode<synchronous>, transform_indices = @transform_11, window_bounds = array<i64: 640, 320>}, {pipeline_mode = #tpu.pipeline_mode<synchronous>, transform_indices = @transform_12, window_bounds = array<i64: 1, 320>}, {pipeline_mode = #tpu.pipeline_mode<synchronous>, transform_indices = @transform_13, window_bounds = array<i64: 320, 8>}, {pipeline_mode = #tpu.pipeline_mode<synchronous>, transform_indices = @transform_14, window_bounds = array<i64: 8, 128>}, {pipeline_mode = #tpu.pipeline_mode<synchronous>, transform_indices = @transform_15, window_bounds = array<i64: 128, 16>}, {pipeline_mode = #tpu.pipeline_mode<synchronous>, transform_indices = @transform_16, window_bounds = array<i64: 16, 80>}, {pipeline_mode = #tpu.pipeline_mode<synchronous>, transform_indices = @transform_17, window_bounds = array<i64: 16, 80>}, {pipeline_mode = #tpu.pipeline_mode<synchronous>, transform_indices = @transform_18, window_bounds = array<i64: 13, 80>}, {pipeline_mode = #tpu.pipeline_mode<synchronous>, transform_indices = @transform_19, window_bounds = array<i64: 416, 80>}, {pipeline_mode = #tpu.pipeline_mode<synchronous>, transform_indices = @transform_20, window_bounds = array<i64: 1, 80>}, {pipeline_mode = #tpu.pipeline_mode<synchronous>, transform_indices = @transform_21, window_bounds = array<i64: 80, 40>}, {pipeline_mode = #tpu.pipeline_mode<synchronous>, transform_indices = @transform_22, window_bounds = array<i64: 1, 40>}, {pipeline_mode = #tpu.pipeline_mode<synchronous>, transform_indices = @transform_23, window_bounds = array<i64: 40, 1>}, {pipeline_mode = #tpu.pipeline_mode<synchronous>, transform_indices = @transform_24, window_bounds = array<i64: 1, 1>}, {transform_indices = @transform_25, window_bounds = array<i64: 32, 1>}]} {
    %get3A = arith.constant 0 : index
    %get3A_0 = arith.constant 0 : index
    %get3A_1 = vector.load %arg1[%get3A, %get3A_0] : memref<800x128xf32, #tpu.memory_space<vmem>>, vector<800x128xf32>
    %get3A_2 = arith.constant 0 : index
    %get3A_3 = arith.constant 0 : index
    %get3A_4 = vector.load %arg4[%get3A_2, %get3A_3] : memref<32x16xf32, #tpu.memory_space<vmem>>, vector<32x16xf32>
    %get3A_5 = arith.constant 0 : index
    %get3A_6 = arith.constant 0 : index
    %get3A_7 = vector.load %arg7[%get3A_5, %get3A_6] : memref<800x32xf32, #tpu.memory_space<vmem>>, vector<800x32xf32>
    %get3A_8 = arith.constant 0 : index
    %get3A_9 = arith.constant 0 : index
    %get3A_10 = vector.load %arg3[%get3A_8, %get3A_9] : memref<32x128xf32, #tpu.memory_space<vmem>>, vector<32x128xf32>
    %dot_general3A = arith.constant dense<0.000000e+00> : vector<800x128xf32>
    %dot_general3A_11 = tpu.matmul %get3A_7, %get3A_10, %dot_general3A {dimension_numbers = #tpu.dot_dimension_numbers<[1], [0], [0], [1], [0, 0, 1, 1], [], []>, transpose_lhs_hint = false} : vector<800x32xf32>, vector<32x128xf32>, vector<800x128xf32> -> vector<800x128xf32>
    %get3A_12 = arith.constant 0 : index
    %get3A_13 = arith.constant 0 : index
    %get3A_14 = vector.load %arg10[%get3A_12, %get3A_13] : memref<16x640xf32, #tpu.memory_space<vmem>>, vector<16x640xf32>
    %dot_general3A_15 = arith.constant dense<0.000000e+00> : vector<32x640xf32>
    %dot_general3A_16 = tpu.matmul %get3A_4, %get3A_14, %dot_general3A_15 {dimension_numbers = #tpu.dot_dimension_numbers<[1], [0], [0], [1], [0, 0, 1, 1], [], []>, transpose_lhs_hint = false} : vector<32x16xf32>, vector<16x640xf32>, vector<32x640xf32> -> vector<32x640xf32>
    %get3A_17 = arith.constant 0 : index
    %get3A_18 = arith.constant 0 : index
    %get3A_19 = vector.load %arg11[%get3A_17, %get3A_18] : memref<1x640xf32, #tpu.memory_space<vmem>>, vector<1x640xf32>
    %add3A = vector.broadcast %get3A_19 : vector<1x640xf32> to vector<32x640xf32>
    %add3A_20 = arith.addf %dot_general3A_16, %add3A : vector<32x640xf32>
    %get3A_21 = arith.constant 0 : index
    %get3A_22 = arith.constant 0 : index
    %get3A_23 = vector.load %arg8[%get3A_21, %get3A_22] : memref<128x640xf32, #tpu.memory_space<vmem>>, vector<128x640xf32>
    %dot_general3A_24 = arith.constant dense<0.000000e+00> : vector<800x640xf32>
    %dot_general3A_25 = tpu.matmul %get3A_1, %get3A_23, %dot_general3A_24 {dimension_numbers = #tpu.dot_dimension_numbers<[1], [0], [0], [1], [0, 0, 1, 1], [], []>, transpose_lhs_hint = false} : vector<800x128xf32>, vector<128x640xf32>, vector<800x640xf32> -> vector<800x640xf32>
    %mul3A = arith.mulf %dot_general3A_11, %get3A_1 : vector<800x128xf32>
    %get3A_26 = arith.constant 0 : index
    %get3A_27 = arith.constant 0 : index
    %get3A_28 = vector.load %arg9[%get3A_26, %get3A_27] : memref<128x640xf32, #tpu.memory_space<vmem>>, vector<128x640xf32>
    %dot_general3A_29 = arith.constant dense<0.000000e+00> : vector<800x640xf32>
    %dot_general3A_30 = tpu.matmul %mul3A, %get3A_28, %dot_general3A_29 {dimension_numbers = #tpu.dot_dimension_numbers<[1], [0], [0], [1], [0, 0, 1, 1], [], []>, transpose_lhs_hint = false} : vector<800x128xf32>, vector<128x640xf32>, vector<800x640xf32> -> vector<800x640xf32>
    %add3A_31 = arith.addf %dot_general3A_25, %dot_general3A_30 : vector<800x640xf32>
    %dot_general3A_32 = arith.constant dense<0.000000e+00> : vector<800x640xf32>
    %dot_general3A_33 = tpu.matmul %get3A_7, %add3A_20, %dot_general3A_32 {dimension_numbers = #tpu.dot_dimension_numbers<[1], [0], [0], [1], [0, 0, 1, 1], [], []>, transpose_lhs_hint = false} : vector<800x32xf32>, vector<32x640xf32>, vector<800x640xf32> -> vector<800x640xf32>
    %add3A_34 = arith.addf %add3A_31, %dot_general3A_33 : vector<800x640xf32>
    %max3A = arith.constant 0.000000e+00 : f32
    %max3A_35 = vector.broadcast %max3A : f32 to vector<800x640xf32>
    %max3A_36 = arith.maximumf %add3A_34, %max3A_35 : vector<800x640xf32>
    %get3A_37 = arith.constant 0 : index
    %get3A_38 = arith.constant 0 : index
    %get3A_39 = vector.load %arg12[%get3A_37, %get3A_38] : memref<640x320xf32, #tpu.memory_space<vmem>>, vector<640x320xf32>
    %dot_general3A_40 = arith.constant dense<0.000000e+00> : vector<800x320xf32>
    %dot_general3A_41 = tpu.matmul %max3A_36, %get3A_39, %dot_general3A_40 {dimension_numbers = #tpu.dot_dimension_numbers<[1], [0], [0], [1], [0, 0, 1, 1], [], []>, transpose_lhs_hint = false} : vector<800x640xf32>, vector<640x320xf32>, vector<800x320xf32> -> vector<800x320xf32>
    %get3A_42 = arith.constant 0 : index
    %get3A_43 = arith.constant 0 : index
    %get3A_44 = vector.load %arg13[%get3A_42, %get3A_43] : memref<1x320xf32, #tpu.memory_space<vmem>>, vector<1x320xf32>
    %add3A_45 = vector.broadcast %get3A_44 : vector<1x320xf32> to vector<800x320xf32>
    %add3A_46 = arith.addf %dot_general3A_41, %add3A_45 : vector<800x320xf32>
    %max3A_47 = arith.constant 0.000000e+00 : f32
    %max3A_48 = vector.broadcast %max3A_47 : f32 to vector<800x320xf32>
    %max3A_49 = arith.maximumf %add3A_46, %max3A_48 : vector<800x320xf32>
    %get3A_50 = arith.constant 0 : index
    %get3A_51 = arith.constant 0 : index
    %get3A_52 = vector.load %arg14[%get3A_50, %get3A_51] : memref<320x8xf32, #tpu.memory_space<vmem>>, vector<320x8xf32>
    %dot_general3A_53 = arith.constant dense<0.000000e+00> : vector<800x8xf32>
    %dot_general3A_54 = tpu.matmul %max3A_49, %get3A_52, %dot_general3A_53 {dimension_numbers = #tpu.dot_dimension_numbers<[1], [0], [0], [1], [0, 0, 1, 1], [], []>, transpose_lhs_hint = false} : vector<800x320xf32>, vector<320x8xf32>, vector<800x8xf32> -> vector<800x8xf32>
    %reshape3A = vector.shape_cast %dot_general3A_54 : vector<800x8xf32> to vector<32x25x8xf32>
    %get3A_55 = arith.constant 0 : index
    %get3A_56 = arith.constant 0 : index
    %get3A_57 = arith.constant 0 : index
    %get3A_58 = vector.load %arg2[%get3A_55, %get3A_56, %get3A_57] : memref<1x50x128xf32, #tpu.memory_space<vmem>>, vector<1x50x128xf32>
    %reshape3A_59 = vector.shape_cast %get3A_58 : vector<1x50x128xf32> to vector<50x128xf32>
    %slice3A = vector.extract_strided_slice %reshape3A_59 {offsets = [0, 0], sizes = [50, 8], strides = [1, 1]} : vector<50x128xf32> to vector<50x8xf32>
    %slice3A_60 = vector.extract_strided_slice %reshape3A_59 {offsets = [0, 8], sizes = [50, 8], strides = [1, 1]} : vector<50x128xf32> to vector<50x8xf32>
    %slice3A_61 = vector.extract_strided_slice %reshape3A_59 {offsets = [0, 16], sizes = [50, 8], strides = [1, 1]} : vector<50x128xf32> to vector<50x8xf32>
    %slice3A_62 = vector.extract_strided_slice %reshape3A_59 {offsets = [0, 24], sizes = [50, 8], strides = [1, 1]} : vector<50x128xf32> to vector<50x8xf32>
    %slice3A_63 = vector.extract_strided_slice %reshape3A_59 {offsets = [0, 32], sizes = [50, 8], strides = [1, 1]} : vector<50x128xf32> to vector<50x8xf32>
    %slice3A_64 = vector.extract_strided_slice %reshape3A_59 {offsets = [0, 40], sizes = [50, 8], strides = [1, 1]} : vector<50x128xf32> to vector<50x8xf32>
    %slice3A_65 = vector.extract_strided_slice %reshape3A_59 {offsets = [0, 48], sizes = [50, 8], strides = [1, 1]} : vector<50x128xf32> to vector<50x8xf32>
    %slice3A_66 = vector.extract_strided_slice %reshape3A_59 {offsets = [0, 56], sizes = [50, 8], strides = [1, 1]} : vector<50x128xf32> to vector<50x8xf32>
    %slice3A_67 = vector.extract_strided_slice %reshape3A_59 {offsets = [0, 64], sizes = [50, 8], strides = [1, 1]} : vector<50x128xf32> to vector<50x8xf32>
    %slice3A_68 = vector.extract_strided_slice %reshape3A_59 {offsets = [0, 72], sizes = [50, 8], strides = [1, 1]} : vector<50x128xf32> to vector<50x8xf32>
    %slice3A_69 = vector.extract_strided_slice %reshape3A_59 {offsets = [0, 80], sizes = [50, 8], strides = [1, 1]} : vector<50x128xf32> to vector<50x8xf32>
    %slice3A_70 = vector.extract_strided_slice %reshape3A_59 {offsets = [0, 88], sizes = [50, 8], strides = [1, 1]} : vector<50x128xf32> to vector<50x8xf32>
    %slice3A_71 = vector.extract_strided_slice %reshape3A_59 {offsets = [0, 96], sizes = [50, 8], strides = [1, 1]} : vector<50x128xf32> to vector<50x8xf32>
    %slice3A_72 = vector.extract_strided_slice %reshape3A_59 {offsets = [0, 104], sizes = [50, 8], strides = [1, 1]} : vector<50x128xf32> to vector<50x8xf32>
    %slice3A_73 = vector.extract_strided_slice %reshape3A_59 {offsets = [0, 112], sizes = [50, 8], strides = [1, 1]} : vector<50x128xf32> to vector<50x8xf32>
    %slice3A_74 = vector.extract_strided_slice %reshape3A_59 {offsets = [0, 120], sizes = [50, 8], strides = [1, 1]} : vector<50x128xf32> to vector<50x8xf32>
    %stack3A = vector.shape_cast %slice3A : vector<50x8xf32> to vector<50x1x8xf32>
    %stack3A_75 = vector.shape_cast %slice3A_60 : vector<50x8xf32> to vector<50x1x8xf32>
    %stack3A_76 = vector.shape_cast %slice3A_61 : vector<50x8xf32> to vector<50x1x8xf32>
    %stack3A_77 = vector.shape_cast %slice3A_62 : vector<50x8xf32> to vector<50x1x8xf32>
    %stack3A_78 = vector.shape_cast %slice3A_63 : vector<50x8xf32> to vector<50x1x8xf32>
    %stack3A_79 = vector.shape_cast %slice3A_64 : vector<50x8xf32> to vector<50x1x8xf32>
    %stack3A_80 = vector.shape_cast %slice3A_65 : vector<50x8xf32> to vector<50x1x8xf32>
    %stack3A_81 = vector.shape_cast %slice3A_66 : vector<50x8xf32> to vector<50x1x8xf32>
    %stack3A_82 = vector.shape_cast %slice3A_67 : vector<50x8xf32> to vector<50x1x8xf32>
    %stack3A_83 = vector.shape_cast %slice3A_68 : vector<50x8xf32> to vector<50x1x8xf32>
    %stack3A_84 = vector.shape_cast %slice3A_69 : vector<50x8xf32> to vector<50x1x8xf32>
    %stack3A_85 = vector.shape_cast %slice3A_70 : vector<50x8xf32> to vector<50x1x8xf32>
    %stack3A_86 = vector.shape_cast %slice3A_71 : vector<50x8xf32> to vector<50x1x8xf32>
    %stack3A_87 = vector.shape_cast %slice3A_72 : vector<50x8xf32> to vector<50x1x8xf32>
    %stack3A_88 = vector.shape_cast %slice3A_73 : vector<50x8xf32> to vector<50x1x8xf32>
    %stack3A_89 = vector.shape_cast %slice3A_74 : vector<50x8xf32> to vector<50x1x8xf32>
    %stack3A_90 = tpu.concatenate %stack3A, %stack3A_75, %stack3A_76, %stack3A_77, %stack3A_78, %stack3A_79, %stack3A_80, %stack3A_81, %stack3A_82, %stack3A_83, %stack3A_84, %stack3A_85, %stack3A_86, %stack3A_87, %stack3A_88, %stack3A_89 in 1 : vector<50x1x8xf32>, vector<50x1x8xf32>, vector<50x1x8xf32>, vector<50x1x8xf32>, vector<50x1x8xf32>, vector<50x1x8xf32>, vector<50x1x8xf32>, vector<50x1x8xf32>, vector<50x1x8xf32>, vector<50x1x8xf32>, vector<50x1x8xf32>, vector<50x1x8xf32>, vector<50x1x8xf32>, vector<50x1x8xf32>, vector<50x1x8xf32>, vector<50x1x8xf32> -> vector<50x16x8xf32>
    %reshape3A_91 = vector.shape_cast %stack3A_90 : vector<50x16x8xf32> to vector<32x25x8xf32>
    %gt3A = arith.constant 5.000000e-01 : f32
    %gt3A_92 = vector.broadcast %gt3A : f32 to vector<32x25x8xf32>
    %gt3A_93 = arith.cmpf ogt, %reshape3A_91, %gt3A_92 : vector<32x25x8xf32>
    %jit3A = arith.constant -1.000000e+30 : f32
    %broadcast_in_dim3A = vector.broadcast %jit3A : f32 to vector<32x25x8xf32>
    %select_n3A = arith.select %gt3A_93, %reshape3A, %broadcast_in_dim3A : vector<32x25x8xi1>, vector<32x25x8xf32>
    %reduce_max3A = arith.constant dense<0xFF800000> : vector<32xf32>
    %reduce_max3A_94 = vector.multi_reduction <maximumf>, %select_n3A, %reduce_max3A [1, 2] : vector<32x25x8xf32> to vector<32xf32>
    %broadcast_in_dim3A_95 = vector.shape_cast %reduce_max3A_94 : vector<32xf32> to vector<32x1x1xf32>
    %sub3A = vector.broadcast %broadcast_in_dim3A_95 : vector<32x1x1xf32> to vector<32x25x8xf32>
    %sub3A_96 = arith.subf %select_n3A, %sub3A : vector<32x25x8xf32>
    %exp3A = math.exp %sub3A_96 : vector<32x25x8xf32>
    %reduce_sum3A = arith.constant dense<0.000000e+00> : vector<32xf32>
    %reduce_sum3A_97 = vector.multi_reduction <add>, %exp3A, %reduce_sum3A [1, 2] : vector<32x25x8xf32> to vector<32xf32>
    %broadcast_in_dim3A_98 = vector.shape_cast %reduce_sum3A_97 : vector<32xf32> to vector<32x1x1xf32>
    %div3A = vector.broadcast %broadcast_in_dim3A_98 : vector<32x1x1xf32> to vector<32x25x8xf32>
    %div3A_99 = arith.divf %exp3A, %div3A : vector<32x25x8xf32>
    %reshape3A_100 = vector.shape_cast %div3A_99 : vector<32x25x8xf32> to vector<800x8xf32>
    %get3A_101 = arith.constant 0 : index
    %get3A_102 = arith.constant 0 : index
    %get3A_103 = vector.load %arg15[%get3A_101, %get3A_102] : memref<8x128xf32, #tpu.memory_space<vmem>>, vector<8x128xf32>
    %dot_general3A_104 = arith.constant dense<0.000000e+00> : vector<800x128xf32>
    %dot_general3A_105 = tpu.matmul %reshape3A_100, %get3A_103, %dot_general3A_104 {dimension_numbers = #tpu.dot_dimension_numbers<[1], [0], [0], [1], [0, 0, 1, 1], [], []>, transpose_lhs_hint = false} : vector<800x8xf32>, vector<8x128xf32>, vector<800x128xf32> -> vector<800x128xf32>
    %mul3A_106 = arith.mulf %dot_general3A_105, %get3A_1 : vector<800x128xf32>
    %reshape3A_107 = vector.shape_cast %mul3A_106 : vector<800x128xf32> to vector<32x25x128xf32>
    %reduce_sum3A_108 = arith.constant dense<0.000000e+00> : vector<32x128xf32>
    %reduce_sum3A_109 = vector.multi_reduction <add>, %reshape3A_107, %reduce_sum3A_108 [1] : vector<32x25x128xf32> to vector<32x128xf32>
    %get3A_110 = arith.constant 0 : index
    %get3A_111 = arith.constant 0 : index
    %get3A_112 = vector.load %arg16[%get3A_110, %get3A_111] : memref<128x16xf32, #tpu.memory_space<vmem>>, vector<128x16xf32>
    %dot_general3A_113 = arith.constant dense<0.000000e+00> : vector<32x16xf32>
    %dot_general3A_114 = tpu.matmul %reduce_sum3A_109, %get3A_112, %dot_general3A_113 {dimension_numbers = #tpu.dot_dimension_numbers<[1], [0], [0], [1], [0, 0, 1, 1], [], []>, transpose_lhs_hint = false} : vector<32x128xf32>, vector<128x16xf32>, vector<32x16xf32> -> vector<32x16xf32>
    %get3A_115 = arith.constant 0 : index
    %get3A_116 = arith.constant 0 : index
    %get3A_117 = vector.load %arg17[%get3A_115, %get3A_116] : memref<16x80xf32, #tpu.memory_space<vmem>>, vector<16x80xf32>
    %dot_general3A_118 = arith.constant dense<0.000000e+00> : vector<32x80xf32>
    %dot_general3A_119 = tpu.matmul %dot_general3A_114, %get3A_117, %dot_general3A_118 {dimension_numbers = #tpu.dot_dimension_numbers<[1], [0], [0], [1], [0, 0, 1, 1], [], []>, transpose_lhs_hint = false} : vector<32x16xf32>, vector<16x80xf32>, vector<32x80xf32> -> vector<32x80xf32>
    %get3A_120 = arith.constant 0 : index
    %get3A_121 = arith.constant 0 : index
    %get3A_122 = vector.load %arg4[%get3A_120, %get3A_121] : memref<32x16xf32, #tpu.memory_space<vmem>>, vector<32x16xf32>
    %get3A_123 = arith.constant 0 : index
    %get3A_124 = arith.constant 0 : index
    %get3A_125 = vector.load %arg18[%get3A_123, %get3A_124] : memref<16x80xf32, #tpu.memory_space<vmem>>, vector<16x80xf32>
    %dot_general3A_126 = arith.constant dense<0.000000e+00> : vector<32x80xf32>
    %dot_general3A_127 = tpu.matmul %get3A_122, %get3A_125, %dot_general3A_126 {dimension_numbers = #tpu.dot_dimension_numbers<[1], [0], [0], [1], [0, 0, 1, 1], [], []>, transpose_lhs_hint = false} : vector<32x16xf32>, vector<16x80xf32>, vector<32x80xf32> -> vector<32x80xf32>
    %add3A_128 = arith.addf %dot_general3A_119, %dot_general3A_127 : vector<32x80xf32>
    %get3A_129 = arith.constant 0 : index
    %get3A_130 = arith.constant 0 : index
    %get3A_131 = vector.load %arg5[%get3A_129, %get3A_130] : memref<32x13xf32, #tpu.memory_space<vmem>>, vector<32x13xf32>
    %get3A_132 = arith.constant 0 : index
    %get3A_133 = arith.constant 0 : index
    %get3A_134 = vector.load %arg19[%get3A_132, %get3A_133] : memref<13x80xf32, #tpu.memory_space<vmem>>, vector<13x80xf32>
    %dot_general3A_135 = arith.constant dense<0.000000e+00> : vector<32x80xf32>
    %dot_general3A_136 = tpu.matmul %get3A_131, %get3A_134, %dot_general3A_135 {dimension_numbers = #tpu.dot_dimension_numbers<[1], [0], [0], [1], [0, 0, 1, 1], [], []>, transpose_lhs_hint = false} : vector<32x13xf32>, vector<13x80xf32>, vector<32x80xf32> -> vector<32x80xf32>
    %add3A_137 = arith.addf %add3A_128, %dot_general3A_136 : vector<32x80xf32>
    %get3A_138 = arith.constant 0 : index
    %get3A_139 = arith.constant 0 : index
    %get3A_140 = vector.load %arg6[%get3A_138, %get3A_139] : memref<32x416xf32, #tpu.memory_space<vmem>>, vector<32x416xf32>
    %get3A_141 = arith.constant 0 : index
    %get3A_142 = arith.constant 0 : index
    %get3A_143 = vector.load %arg20[%get3A_141, %get3A_142] : memref<416x80xf32, #tpu.memory_space<vmem>>, vector<416x80xf32>
    %dot_general3A_144 = arith.constant dense<0.000000e+00> : vector<32x80xf32>
    %dot_general3A_145 = tpu.matmul %get3A_140, %get3A_143, %dot_general3A_144 {dimension_numbers = #tpu.dot_dimension_numbers<[1], [0], [0], [1], [0, 0, 1, 1], [], []>, transpose_lhs_hint = false} : vector<32x416xf32>, vector<416x80xf32>, vector<32x80xf32> -> vector<32x80xf32>
    %add3A_146 = arith.addf %add3A_137, %dot_general3A_145 : vector<32x80xf32>
    %get3A_147 = arith.constant 0 : index
    %get3A_148 = arith.constant 0 : index
    %get3A_149 = vector.load %arg21[%get3A_147, %get3A_148] : memref<1x80xf32, #tpu.memory_space<vmem>>, vector<1x80xf32>
    %add3A_150 = vector.broadcast %get3A_149 : vector<1x80xf32> to vector<32x80xf32>
    %add3A_151 = arith.addf %add3A_146, %add3A_150 : vector<32x80xf32>
    %max3A_152 = arith.constant 0.000000e+00 : f32
    %max3A_153 = vector.broadcast %max3A_152 : f32 to vector<32x80xf32>
    %max3A_154 = arith.maximumf %add3A_151, %max3A_153 : vector<32x80xf32>
    %get3A_155 = arith.constant 0 : index
    %get3A_156 = arith.constant 0 : index
    %get3A_157 = vector.load %arg22[%get3A_155, %get3A_156] : memref<80x40xf32, #tpu.memory_space<vmem>>, vector<80x40xf32>
    %dot_general3A_158 = arith.constant dense<0.000000e+00> : vector<32x40xf32>
    %dot_general3A_159 = tpu.matmul %max3A_154, %get3A_157, %dot_general3A_158 {dimension_numbers = #tpu.dot_dimension_numbers<[1], [0], [0], [1], [0, 0, 1, 1], [], []>, transpose_lhs_hint = false} : vector<32x80xf32>, vector<80x40xf32>, vector<32x40xf32> -> vector<32x40xf32>
    %get3A_160 = arith.constant 0 : index
    %get3A_161 = arith.constant 0 : index
    %get3A_162 = vector.load %arg23[%get3A_160, %get3A_161] : memref<1x40xf32, #tpu.memory_space<vmem>>, vector<1x40xf32>
    %add3A_163 = vector.broadcast %get3A_162 : vector<1x40xf32> to vector<32x40xf32>
    %add3A_164 = arith.addf %dot_general3A_159, %add3A_163 : vector<32x40xf32>
    %max3A_165 = arith.constant 0.000000e+00 : f32
    %max3A_166 = vector.broadcast %max3A_165 : f32 to vector<32x40xf32>
    %max3A_167 = arith.maximumf %add3A_164, %max3A_166 : vector<32x40xf32>
    %get3A_168 = arith.constant 0 : index
    %get3A_169 = arith.constant 0 : index
    %get3A_170 = vector.load %arg24[%get3A_168, %get3A_169] : memref<40x1xf32, #tpu.memory_space<vmem>>, vector<40x1xf32>
    %dot_general3A_171 = arith.constant dense<0.000000e+00> : vector<32x1xf32>
    %dot_general3A_172 = tpu.matmul %max3A_167, %get3A_170, %dot_general3A_171 {dimension_numbers = #tpu.dot_dimension_numbers<[1], [0], [0], [1], [0, 0, 1, 1], [], []>, transpose_lhs_hint = false} : vector<32x40xf32>, vector<40x1xf32>, vector<32x1xf32> -> vector<32x1xf32>
    %get3A_173 = arith.constant 0 : index
    %get3A_174 = arith.constant 0 : index
    %get3A_175 = vector.load %arg25[%get3A_173, %get3A_174] : memref<1x1xf32, #tpu.memory_space<vmem>>, vector<1x1xf32>
    %add3A_176 = vector.broadcast %get3A_175 : vector<1x1xf32> to vector<32x1xf32>
    %add3A_177 = arith.addf %dot_general3A_172, %add3A_176 : vector<32x1xf32>
    %neg3A = arith.constant 0.000000e+00 : f32
    %neg3A_178 = vector.broadcast %neg3A : f32 to vector<32x1xf32>
    %neg3A_179 = arith.subf %neg3A_178, %add3A_177 : vector<32x1xf32>
    %exp3A_180 = math.exp %neg3A_179 : vector<32x1xf32>
    %add3A_181 = arith.constant 1.000000e+00 : f32
    %add3A_182 = vector.broadcast %add3A_181 : f32 to vector<32x1xf32>
    %add3A_183 = arith.addf %add3A_182, %exp3A_180 : vector<32x1xf32>
    %div3A_184 = arith.constant 1.000000e+00 : f32
    %div3A_185 = vector.broadcast %div3A_184 : f32 to vector<32x1xf32>
    %div3A_186 = arith.divf %div3A_185, %add3A_183 : vector<32x1xf32>
    %swap3A = arith.constant 0 : index
    %swap3A_187 = arith.constant 0 : index
    %swap3A_188 = vector.load %arg26[%swap3A, %swap3A_187] : memref<32x1xf32, #tpu.memory_space<vmem>>, vector<32x1xf32>
    tpu.vector_store %arg26[%swap3A, %swap3A_187], %div3A_186 {strides = array<i32>} : memref<32x1xf32, #tpu.memory_space<vmem>>, vector<32x1xf32>,
    return
  }
  func.func @transform_0(%arg0: i32) -> (i32, i32) {
    %c0_i32 = arith.constant 0 : i32
    %c0_i32_0 = arith.constant 0 : i32
    return %arg0, %c0_i32 : i32, i32
  }
  func.func @transform_1(%arg0: i32) -> (i32, i32, i32) {
    %c0_i32 = arith.constant 0 : i32
    %c0_i32_0 = arith.constant 0 : i32
    %c0_i32_1 = arith.constant 0 : i32
    return %arg0, %c0_i32, %c0_i32_0 : i32, i32, i32
  }
  func.func @transform_2(%arg0: i32) -> (i32, i32) {
    %c0_i32 = arith.constant 0 : i32
    %c0_i32_0 = arith.constant 0 : i32
    return %arg0, %c0_i32 : i32, i32
  }
  func.func @transform_3(%arg0: i32) -> (i32, i32) {
    %c0_i32 = arith.constant 0 : i32
    %c0_i32_0 = arith.constant 0 : i32
    return %arg0, %c0_i32 : i32, i32
  }
  func.func @transform_4(%arg0: i32) -> (i32, i32) {
    %c0_i32 = arith.constant 0 : i32
    %c0_i32_0 = arith.constant 0 : i32
    return %arg0, %c0_i32 : i32, i32
  }
  func.func @transform_5(%arg0: i32) -> (i32, i32) {
    %c0_i32 = arith.constant 0 : i32
    %c0_i32_0 = arith.constant 0 : i32
    return %arg0, %c0_i32 : i32, i32
  }
  func.func @transform_6(%arg0: i32) -> (i32, i32) {
    %c0_i32 = arith.constant 0 : i32
    %c0_i32_0 = arith.constant 0 : i32
    %c0_i32_1 = arith.constant 0 : i32
    return %c0_i32, %c0_i32_0 : i32, i32
  }
  func.func @transform_7(%arg0: i32) -> (i32, i32) {
    %c0_i32 = arith.constant 0 : i32
    %c0_i32_0 = arith.constant 0 : i32
    %c0_i32_1 = arith.constant 0 : i32
    return %c0_i32, %c0_i32_0 : i32, i32
  }
  func.func @transform_8(%arg0: i32) -> (i32, i32) {
    %c0_i32 = arith.constant 0 : i32
    %c0_i32_0 = arith.constant 0 : i32
    %c0_i32_1 = arith.constant 0 : i32
    return %c0_i32, %c0_i32_0 : i32, i32
  }
  func.func @transform_9(%arg0: i32) -> (i32, i32) {
    %c0_i32 = arith.constant 0 : i32
    %c0_i32_0 = arith.constant 0 : i32
    %c0_i32_1 = arith.constant 0 : i32
    return %c0_i32, %c0_i32_0 : i32, i32
  }
  func.func @transform_10(%arg0: i32) -> (i32, i32) {
    %c0_i32 = arith.constant 0 : i32
    %c0_i32_0 = arith.constant 0 : i32
    %c0_i32_1 = arith.constant 0 : i32
    return %c0_i32, %c0_i32_0 : i32, i32
  }
  func.func @transform_11(%arg0: i32) -> (i32, i32) {
    %c0_i32 = arith.constant 0 : i32
    %c0_i32_0 = arith.constant 0 : i32
    %c0_i32_1 = arith.constant 0 : i32
    return %c0_i32, %c0_i32_0 : i32, i32
  }
  func.func @transform_12(%arg0: i32) -> (i32, i32) {
    %c0_i32 = arith.constant 0 : i32
    %c0_i32_0 = arith.constant 0 : i32
    %c0_i32_1 = arith.constant 0 : i32
    return %c0_i32, %c0_i32_0 : i32, i32
  }
  func.func @transform_13(%arg0: i32) -> (i32, i32) {
    %c0_i32 = arith.constant 0 : i32
    %c0_i32_0 = arith.constant 0 : i32
    %c0_i32_1 = arith.constant 0 : i32
    return %c0_i32, %c0_i32_0 : i32, i32
  }
  func.func @transform_14(%arg0: i32) -> (i32, i32) {
    %c0_i32 = arith.constant 0 : i32
    %c0_i32_0 = arith.constant 0 : i32
    %c0_i32_1 = arith.constant 0 : i32
    return %c0_i32, %c0_i32_0 : i32, i32
  }
  func.func @transform_15(%arg0: i32) -> (i32, i32) {
    %c0_i32 = arith.constant 0 : i32
    %c0_i32_0 = arith.constant 0 : i32
    %c0_i32_1 = arith.constant 0 : i32
    return %c0_i32, %c0_i32_0 : i32, i32
  }
  func.func @transform_16(%arg0: i32) -> (i32, i32) {
    %c0_i32 = arith.constant 0 : i32
    %c0_i32_0 = arith.constant 0 : i32
    %c0_i32_1 = arith.constant 0 : i32
    return %c0_i32, %c0_i32_0 : i32, i32
  }
  func.func @transform_17(%arg0: i32) -> (i32, i32) {
    %c0_i32 = arith.constant 0 : i32
    %c0_i32_0 = arith.constant 0 : i32
    %c0_i32_1 = arith.constant 0 : i32
    return %c0_i32, %c0_i32_0 : i32, i32
  }
  func.func @transform_18(%arg0: i32) -> (i32, i32) {
    %c0_i32 = arith.constant 0 : i32
    %c0_i32_0 = arith.constant 0 : i32
    %c0_i32_1 = arith.constant 0 : i32
    return %c0_i32, %c0_i32_0 : i32, i32
  }
  func.func @transform_19(%arg0: i32) -> (i32, i32) {
    %c0_i32 = arith.constant 0 : i32
    %c0_i32_0 = arith.constant 0 : i32
    %c0_i32_1 = arith.constant 0 : i32
    return %c0_i32, %c0_i32_0 : i32, i32
  }
  func.func @transform_20(%arg0: i32) -> (i32, i32) {
    %c0_i32 = arith.constant 0 : i32
    %c0_i32_0 = arith.constant 0 : i32
    %c0_i32_1 = arith.constant 0 : i32
    return %c0_i32, %c0_i32_0 : i32, i32
  }
  func.func @transform_21(%arg0: i32) -> (i32, i32) {
    %c0_i32 = arith.constant 0 : i32
    %c0_i32_0 = arith.constant 0 : i32
    %c0_i32_1 = arith.constant 0 : i32
    return %c0_i32, %c0_i32_0 : i32, i32
  }
  func.func @transform_22(%arg0: i32) -> (i32, i32) {
    %c0_i32 = arith.constant 0 : i32
    %c0_i32_0 = arith.constant 0 : i32
    %c0_i32_1 = arith.constant 0 : i32
    return %c0_i32, %c0_i32_0 : i32, i32
  }
  func.func @transform_23(%arg0: i32) -> (i32, i32) {
    %c0_i32 = arith.constant 0 : i32
    %c0_i32_0 = arith.constant 0 : i32
    %c0_i32_1 = arith.constant 0 : i32
    return %c0_i32, %c0_i32_0 : i32, i32
  }
  func.func @transform_24(%arg0: i32) -> (i32, i32) {
    %c0_i32 = arith.constant 0 : i32
    %c0_i32_0 = arith.constant 0 : i32
    %c0_i32_1 = arith.constant 0 : i32
    return %c0_i32, %c0_i32_0 : i32, i32
  }
  func.func @transform_25(%arg0: i32) -> (i32, i32) {
    %c0_i32 = arith.constant 0 : i32
    %c0_i32_0 = arith.constant 0 : i32
    return %arg0, %c0_i32 : i32, i32
  }
}

</mosaic_0001>

<sc_bundles>
// kernel: kernel.4.cloned.1.call-start
scs
__scs_entry_jumppad:
0x0: {  	(pc) =	sbr.rel $0x88, $3  }
0x1: {  	(tag) =	ssettag $0x0;
	lr =	simm.s32 $0x1  }
0x2: {  	[smem:$0x3F8E] =	sst lr;
	_ =	strace $0xD0000000  }
0x3: {  	_ = 	snop  }
0x4: {  	_ = 	snop  }
0x5: {  	_ = 	snop  }
0x6: {  	_ = 	snop  }
0x7: {  	_ = 	snop  }
__scs_overlays_trampoline_lowered:
0x8: {  	[smem:$0x3F9D] =	sst s0  }
0x9: {  	[smem:$0x3F9E] =	sst s1  }
0xa: {  	[smem:$0x3F9F] =	sst s2  }
0xb: {  	[smem:$0x3FA0] =	sst s3  }
0xc: {  	[smem:$0x3FA1] =	sst s4  }
0xd: {  	[smem:$0x3FA2] =	sst s5  }
0xe: {  	[smem:$0x3FA3] =	sst s6  }
0xf: {  	[smem:$0x3FA4] =	sst s7  }
0x10: {  	[smem:$0x3FA5] =	sst s8  }
0x11: {  	[smem:$0x3FA6] =	sst s9;
	s0 =	simm.s32 @!p0 $0x0  }
0x12: {  	s1 =	sld [smem:$0x3F8C];
	s0 =	simm.s32 @p0 $0x1  }
0x13: {  	[smem:$0x3FA7] =	sst s0;
	s0 =	simm.s32 @!p1 $0x0  }
0x14: {  	s2 =	sld [smem:$0x3F8B];
	s0 =	simm.s32 @p1 $0x1  }
0x15: {  	[smem:$0x3FA8] =	sst s0;
	s0 =	simm.s32 @!p2 $0x0  }
0x16: {  	s3 =	sld [smem:$0x3FDB];
	s0 =	simm.s32 @p2 $0x1  }
0x17: {  	s4 =	simm.s32 $0x1BF5;
	[smem:$0x3FAA] =	sst s0  }
0x18: {  	s0 =	sld [smem:$0x3F8D];
	_ =	swait.ge [sflag:s4], $0x0  }
0x19: {  	s7 =	sld [smem:$0x3F8E]  }
0x1a: {  	s8 =	sadd.s32 $0xFFFFE003, lr  }
0x1b: {  	s9 =	sadd.s32 $0xFFFFFEF7, lr;
	s5 =	simm.s32 $0xFFFFFFFF;
	p2 =	slt.u32 s8, $0xFFFFF086  }
0x1c: {  	p1 =	slt.u32 s9, $0xF7A;
	s5 =	simm.s32 @!p2 $0x0  }
0x1d: {  	s5 =	simm.s32 @p1 $0x1;
	p0 =	seq.s32 s7, s2  }
0x1e: {  	s7 =	smul.u32 @!p0 $0xF7A, s2;
	p2 =	seq.s32 @!p0 s5, $0x0  }
0x1f: {  	s9 =	smul.u32 $0xF7A, s1;
	s8 =	simm.s32 @!p0 $0x1BF5;
	p2 =	por !p2, p0  }
0x20: {  	[sflag:s8] =	ssyncset.s32 @!p0 $0xFFFFF086;
	s6 =	sadd.s32 @!p0 s3, s7;
	s7 =	simm.s32 @!p0 $0x108  }
0x21: {  	s3 =	sadd.s32 s3, s9;
	s6 =	sadd.s32 @!p0 $0x88, s6;
	s7 =	simm.s32 @p2 $0x1082  }
0x22: {  	[simem:s7], [sflag:s8] =	dma.local @!p0 [hbm:s6], $0xF7A  }
0x23: {  	s9 =	sor.u32 $0xD0000000, s2;
	s6 =	simm.s32 $0x108;
	_ =	swait.ge @!p0 [sflag:s8], $0x0  }
0x24: {  	s3 =	sadd.s32 $0x88, s3;
	s6 =	simm.s32 @!p1 $0x1082;
	[sflag:s4] =	ssyncset.s32 $0xFFFFF086  }
0x25: {  	[simem:s6], [sflag:s4] =	dma.local [hbm:s3], $0xF7A  }
0x26: {  	[smem:$0x3F8E] =	sst s1;
	(tag) =	ssettag s2;
	_ =	strace s9  }
0x27: {  	s1 =	sld [smem:$0x3F9E]  }
0x28: {  	s2 =	sld [smem:$0x3F9F]  }
0x29: {  	s4 =	sld [smem:$0x3FA1]  }
0x2a: {  	p0 =	seq.s32 s5, $0x0;
	s5 =	sld [smem:$0x3FA2]  }
0x2b: {  	s6 =	sld [smem:$0x3FA3]  }
0x2c: {  	s7 =	sld [smem:$0x3FA4]  }
0x2d: {  	s3 =	simm.s32 $0x108;
	s8 =	sld [smem:$0x3FA5]  }
0x2e: {  	s3 =	simm.s32 @!p0 $0x1082;
	s9 =	sld [smem:$0x3FA6]  }
0x2f: {  	lr =	sadd.s32 s0, s3;
	s0 =	sld [smem:$0x3F9D]  }
0x30: {  	s3 =	sld [smem:$0x3FA0]  }
0x31: {  	[smem:$0x3FA9] =	sst s10  }
0x32: {  	s10 =	sld [smem:$0x3FA7];
	_ =	sdelay $0x3  }
0x33: {  	p0 =	seq.s32 s10, $0x1;
	s10 =	sld [smem:$0x3FA9];
	_ =	sdelay $0x3  }
0x34: {  	[smem:$0x3FA9] =	sst s10  }
0x35: {  	s10 =	sld [smem:$0x3FA8];
	_ =	sdelay $0x3  }
0x36: {  	p1 =	seq.s32 s10, $0x1;
	s10 =	sld [smem:$0x3FA9];
	_ =	sdelay $0x3  }
0x37: {  	[smem:$0x3FA9] =	sst s10  }
0x38: {  	s10 =	sld [smem:$0x3FAA]  }
0x39: {  	_ = 	snop;
	(pc) =	sbr.ind lr, $3  }
0x3a: {  	_ = 	snop  }
0x3b: {  	_ = 	snop  }
0x3c: {  	p2 =	seq.s32 s10, $0x1;
	s10 =	sld [smem:$0x3FA9]  }
0x3d: {  	_ =	shalt  }
0x3e: {  	_ =	shalt  }
0x3f: {  	_ =	shalt  }
0x40: {  	_ =	shalt  }
0x41: {  	_ =	shalt  }
0x42: {  	_ =	shalt  }
0x43: {  	_ =	shalt  }
0x44: {  	_ =	shalt  }
0x45: {  	_ =	shalt  }
0x46: {  	_ =	shalt  }
0x47: {  	_ =	shalt  }
0x48: {  	_ =	shalt  }
0x49: {  	_ =	shalt  }
0x4a: {  	_ =	shalt  }
0x4b: {  	_ =	shalt  }
0x4c: {  	_ =	shalt  }
0x4d: {  	_ =	shalt  }
0x4e: {  	_ =	shalt  }
0x4f: {  	_ =	shalt  }
0x50: {  	_ =	shalt  }
0x51: {  	_ =	shalt  }
0x52: {  	_ =	shalt  }
0x53: {  	_ =	shalt  }
0x54: {  	_ =	shalt  }
0x55: {  	_ =	shalt  }
0x56: {  	_ =	shalt  }
0x57: {  	_ =	shalt  }
0x58: {  	_ =	shalt  }
0x59: {  	_ =	shalt  }
0x5a: {  	_ =	shalt  }
0x5b: {  	_ =	shalt  }
0x5c: {  	_ =	shalt  }
0x5d: {  	_ =	shalt  }
0x5e: {  	_ =	shalt  }
0x5f: {  	_ =	shalt  }
0x60: {  	_ =	shalt  }
0x61: {  	_ =	shalt  }
0x62: {  	_ =	shalt  }
0x63: {  	_ =	shalt  }
0x64: {  	_ =	shalt  }
0x65: {  	_ =	shalt  }
0x66: {  	_ =	shalt  }
0x67: {  	_ =	shalt  }
0x68: {  	_ =	shalt  }
0x69: {  	_ =	shalt  }
0x6a: {  	_ =	shalt  }
0x6b: {  	_ =	shalt  }
0x6c: {  	_ =	shalt  }
0x6d: {  	_ =	shalt  }
0x6e: {  	_ =	shalt  }
0x6f: {  	_ =	shalt  }
0x70: {  	_ =	shalt  }
0x71: {  	_ =	shalt  }
0x72: {  	_ =	shalt  }
0x73: {  	_ =	shalt  }
0x74: {  	_ =	shalt  }
0x75: {  	_ =	shalt  }
0x76: {  	_ =	shalt  }
0x77: {  	_ =	shalt  }
0x78: {  	_ =	shalt  }
0x79: {  	_ =	shalt  }
0x7a: {  	_ =	shalt  }
0x7b: {  	_ =	shalt  }
0x7c: {  	_ =	shalt  }
0x7d: {  	_ =	shalt  }
0x7e: {  	_ =	shalt  }
0x7f: {  	_ =	shalt  }
0x80: {  	_ =	shalt  }
0x81: {  	_ =	shalt  }
0x82: {  	_ =	shalt  }
0x83: {  	_ =	shalt  }
0x84: {  	_ =	shalt  }
0x85: {  	_ =	shalt  }
0x86: {  	_ =	shalt  }
0x87: {  	_ =	shalt  }
.Lfunc_end0:
.L_simem_size_0:
called_computation_lowered:
.L_overlay_start_0:
0x88: {  	s2 =	sld [smem:$0x3FD9]  }
0x89: {  	s3 =	sld [smem:$0x3FFE];
	_ =	sdelay $0x1  }
0x8a: {  	s1 =	srdreg.scid  }
0x8b: {  	s0 =	sand.u32 $0x1, s1  }
0x8c: {  	s17 =	sshll.u32 s0, $0xA;
	s2 =	sadd.s32 s3, s2  }
0x8d: {  	s2 =	sadd.s32 s2, s17  }
0x8e: {  	[smem:$0x3FB5] =	sst s2  }
0x8f: {  	_ = 	snop  }
0x90: {  	s2 =	sld [smem:$0x3FC6];
	(tm) =	ssettm $0x1  }
0x91: {  	s18 =	sld [smem:$0x3FFB];
	_ =	sdelay $0x3  }
0x92: {  	_ =	strace s18  }
0x93: {  	s3 =	sld [smem:$0x3FFC];
	_ =	sdelay $0x3  }
0x94: {  	_ =	strace s3  }
0x95: {  	s3 =	sld [smem:$0x3FFD];
	_ =	sdelay $0x3  }
0x96: {  	_ =	strace s3  }
0x97: {  	_ =	strace $0x8FFFFFFF  }
0x98: {  	s19 =	sld [smem:$0x3FDB];
	_ =	sdelay $0x1  }
0x99: {  	s4 =	simm.s32 $_scs_section_size  }
0x9a: {  	s5 =	simm.s32 $_size__tile_overlayer_lowered;
	s6 =	simm.s32 $_tile_overlayer_lowered  }
0x9b: {  	s22 =	simm.s32 $0x1BFF;
	s21 =	sshll.u32 s6, $0x1;
	s3 =	sadd.s32 s4, s19  }
0x9c: {  	s7 =	simm.s32 $0x0;
	s20 =	sshll.u32 s5, $0x1;
	s5 =	sadd.s32 s21, s3  }
0x9d: {  	[timem:s7], [sflag:s22] =	dma.local [hbm:s5], s20  }
0x9e: {  	_ =	swait.ge [sflag:s22], s20  }
0x9f: {  	s4 =	ssub.s32 $0x0, s20;
	[sflag:s22] =	ssyncset.done $0x0  }
0xa0: {  	[sflag:s22] =	ssyncadd.s32 s4;
	_ =	sdelay $0x1  }
0xa1: {  	s23 =	simm.s32 $0x1B8B  }
0xa2: {  	_ =	swait.ge [sflag:s23], $0x1  }
0xa3: {  	[sflag:s23] =	ssyncset.done $0x0  }
0xa4: {  	s25 =	simm.s32 $0x1B8E;
	s24 =	sld [smem:$0x3FFE];
	[sflag:s23] =	ssyncadd.s32 $0xFFFFFFFF  }
0xa5: {  	s26 =	simm.s32 $execute0_lowered;
	[smem:$0x3FD2] =	sst s25  }
0xa6: {  	s5 =	sshll.u32 s26, $0x1;
	_ =	strace $0x80000046;
	[dreg:$0x1] =	wrdreg $0xFFFFFFFF  }
0xa7: {  	s28 =	simm.s32 $_size_execute0_lowered;
	s3 =	sadd.s32 s3, s5;
	[dreg:$0x0] =	wrdreg $0x0  }
0xa8: {  	s5 =	sshll.u32 s28, $0x1;
	[dreg:$0x2] =	wrdreg s3  }
0xa9: {  	[dreg:$0x3] =	wrdreg s5  }
0xaa: {  	[dreg:$0x4] =	wrdreg $0xC0  }
0xab: {  	_ =	task [dreg:s7], $0x5FFFF  }
0xac: {  	[dreg:$0x1] =	wrdreg $0xFFFFFFFF  }
0xad: {  	[dreg:$0x0] =	wrdreg $0x60  }
0xae: {  	[dreg:$0x2] =	wrdreg s24  }
0xaf: {  	[dreg:$0x3] =	wrdreg s2  }
0xb0: {  	[dreg:$0x4] =	wrdreg $0x9  }
0xb1: {  	_ =	task.clear_ibuf [dreg:s7], $0x5FFFF;
	_ =	strace $0x90000046  }
0xb2: {  	s29 =	simm.s32 $0x9;
	_ =	strace $0x80000048  }
0xb3: {  	_ =	swait.ge [sflag:s29], $0x1  }
0xb4: {  	[sflag:s29] =	ssyncadd.s32 $0xFFFFFFFF  }
0xb5: {  	_ =	strace $0x90000048  }
0xb6: {  	_ =	sfence  }
0xb7: {  	s30 =	sld [smem:$0x0];
	_ =	sdelay $0x2  }
0xb8: {  	s31 =	sshll.u32 s1, $0xD;
	s1 =	sshrl.u32 s1, $0x2  }
0xb9: {  	s3 =	sand.u32 $0x4000, s31;
	s1 =	sadd.s32 s1, s30  }
0xba: {  	s0 =	sor.u32 s3, s0;
	s1 =	sshll.u32 s1, $0x11  }
0xbb: {  	s0 =	sor.u32 s1, s0  }
0xbc: {  	s0 =	sadd.s32 $0x8F2B, s0  }
0xbd: {  	[sflag:s0] =	ssyncadd.remote.s32 $0x1  }
0xbe: {  	_ =	sfence.sel $0xFFFF  }
0xbf: {  	[dreg:$0x0] =	wrdreg $0xFFFFFFFF;
	(pc) =	sbr.abs _section_cstart, $3  }
0xc0: {  	[dreg:$0x1] =	wrdreg $0xFFFFFFFF  }
0xc1: {  	_ =	task.clear_ibuf [dreg:s7], $0x2FFFF;
	_ =	strace $0x9FFFFFFF  }
0xc2: {  	(tm) =	ssettm $0x7FFFFFFF  }
0xc3: {  	_ =	shalt  }
tec
execute0_lowered:
.L_overlay_start_1:
0x0: {  	(tag) =	ssettag $0x1  }
0x1: {  	s5 =	rddreg [dreg:$0x0]  }
0x2: {  	s1 =	srdreg.scid;
	s0 =	stileid.u32  }
0x3: {  	s6 =	rddreg [dreg:$0x1];
	s2 =	simm.s32 $0x0;
	s16 =	simm.s32 $0xC800  }
0x4: {  	s17 =	simm.s32 $0x80;
	s18 =	simm.s32 $0xC880;
	s19 =	simm.s32 $0xD080  }
0x5: {  	s20 =	simm.s32 $0xD00;
	s21 =	simm.s32 $0xDD80;
	s22 =	simm.s32 $0x0  }
0x6: {  	s7 =	sand.u32 $0x1, s1;
	s3 =	sshll.u32 s0, $0x1;
	s11 =	smul.u32 $0x19000, s0  }
0x7: {  	[smem:$0x7FF] =	sst s2;
	s8 =	sor.u32 s7, s3;
	s31 =	smul.u32 $0xC800, s7  }
0x8: {  	s1 =	rddreg [dreg:$0x2];
	_ =	strace $0x80000047;
	s4 =	smul.u32 $0x6400, s8  }
0x9: {  	s3 =	sadd.s32 $0xF45600, s5;
	s13 =	ssub.s32 $0x2, s7;
	s10 =	smul.u32 $0x1A0, s8  }
0xa: {  	s12 =	smul.u32 $0x1A00, s8;
	s11 =	sadd.s32 s11, s5;
	s14 =	sshll.u32 s8, $0x8  }
0xb: {  	s15 =	sshrl.u32 s13, $0x1;
	s8 =	sshll.u32 s8, $0x4;
	s14 =	sadd.s32 s14, s5  }
0xc: {  	s13 =	ssub.s32 s13, s15;
	s6 =	sadd.s32 s6, s8;
	s11 =	sadd.s32 s31, s11  }
0xd: {  	s15 =	simm.s32 $0x1;
	s9 =	sshrl.u32 s4, $0x3;
	s4 =	sadd.s32 $0x27AF600, s5  }
0xe: {  	s10 =	sadd.s32 s10, s5;
	s12 =	sadd.s32 s12, s5;
	s7 =	sadd.s32 $0x1F600, s14  }
0xf: {  	s11 =	sadd.s32 $0x55600, s11;
	s14 =	simm.s32 $0x6400;
	s9 =	sadd.s32 s9, s5  }
0x10: {  	s8 =	sadd.s32 $0x1C200, s10;
	s10 =	smax.u32 s13, $0x1;
	s13 =	simm.s32 $0x640  }
0x11: {  	s5 =	sadd.s32 $0x3200, s9;
	s9 =	sadd.s32 $0x21600, s12;
	s12 =	simm.s32 $0x2  }
.LBB2_1:
0x12: {  	[tilespmem:s2], [sflag:$0x2] =	stream.linear.gather [hbm4b:s5+s2], $0x6400, $0x38;
	[tilespmem:$0x1AD80] =	vst v63  }
0x13: {  	_ =	swait.ge [sflag:s12], $0x6400  }
0x14: {  	[sflag:s12] =	ssyncset.done $0x0  }
0x15: {  	[sflag:s12] =	ssyncadd.s32 $0xFFFF9C00  }
0x16: {  	[tilespmem:s14], [sflag:$0x1] =	stream.indirect.gather [hbm4b:s3+s13], $0x10, s2, s13, $0xb8;
	[tilespmem:$0x1AD80] =	vst v63  }
0x17: {  	_ =	swait.ge [sflag:s15], $0x6400  }
0x18: {  	[sflag:s15] =	ssyncset.done $0x0  }
0x19: {  	s23 =	sadd.s32 $0x0, s11;
	[sflag:s15] =	ssyncadd.s32 $0xFFFF9C00  }
0x1a: {  	[hbm4b:s23+s2] =	stream.linear.scatter [tilespmem:s14], [sflag:$0x2], $0x6400, $0x38;
	[tilespmem:$0x1AD80] =	vst v63  }
0x1b: {  	_ =	swait.ge [sflag:s12], $0x6400  }
0x1c: {  	s24 =	simm.s32 $0x0;
	s23 =	simm.s32 $0xC80;
	[sflag:s12] =	ssyncset.done $0x0  }
.LBB2_2:
0x1d: {  	p0 =	sne.s32 s23, $0xBB80;
	[sflag:s12] =	ssyncadd.s32 $0xFFFF9C00;
	s24 =	sadd.s32 $0x640, s24  }
0x1e: {  	[tilespmem:s14], [sflag:$0x1] =	stream.indirect.gather [hbm4b:s3+s13], $0x10, s24, s13, $0xb8;
	[tilespmem:$0x1AD80] =	vst v63  }
0x1f: {  	s25 =	smov.u32 s23;
	s23 =	sadd.s32 $0xC80, s23;
	_ =	swait.ge [sflag:s15], $0x6400  }
.Ltmp0:
0x20: {  	[sflag:s15] =	ssyncset.done $0x0;
	(pc) =	sbr.rel @p0 .LBB2_2-.Ltmp0, $4  }
0x21: {  	s25 =	sadd.s32 s25, s11;
	[sflag:s15] =	ssyncadd.s32 $0xFFFF9C00  }
0x22: {  	[hbm4b:s25+s2] =	stream.linear.scatter [tilespmem:s14], [sflag:$0x2], $0x6400, $0x38;
	[tilespmem:$0x1AD80] =	vst v63  }
0x23: {  	_ =	swait.ge [sflag:s12], $0x6400  }
0x24: {  	[sflag:s12] =	ssyncset.done $0x0  }
0x25: {  	[sflag:s12] =	ssyncadd.s32 $0xFFFF9C00  }
0x26: {  	[tilespmem:s16], [sflag:$0x2] =	stream.linear.gather [hbm4b:s6+s2], $0x80, $0x38;
	[tilespmem:$0x1AD80] =	vst v63  }
0x27: {  	_ =	swait.ge [sflag:s12], $0x80  }
0x28: {  	[sflag:s12] =	ssyncset.done $0x0  }
0x29: {  	[sflag:s12] =	ssyncadd.s32 $0xFFFFFF80  }
0x2a: {  	[tilespmem:s18], [sflag:$0x1] =	stream.indirect.gather [hbm4b:s3+s17], $0x10, s16, s17, $0xb8;
	[tilespmem:$0x1AD80] =	vst v63  }
0x2b: {  	_ =	swait.ge [sflag:s15], $0x800  }
0x2c: {  	[sflag:s15] =	ssyncset.done $0x0  }
0x2d: {  	[sflag:s15] =	ssyncadd.s32 $0xFFFFF800  }
0x2e: {  	[hbm4b:s7+s2] =	stream.linear.scatter [tilespmem:s18], [sflag:$0x2], $0x800, $0x38;
	[tilespmem:$0x1AD80] =	vst v63  }
0x2f: {  	_ =	swait.ge [sflag:s12], $0x800  }
0x30: {  	[sflag:s12] =	ssyncset.done $0x0  }
0x31: {  	[sflag:s12] =	ssyncadd.s32 $0xFFFFF800  }
0x32: {  	[tilespmem:s19], [sflag:$0x2] =	stream.linear.gather [hbm4b:s8+s2], $0xD00, $0x38;
	[tilespmem:$0x1AD80] =	vst v63  }
0x33: {  	_ =	swait.ge [sflag:s12], $0xD00  }
0x34: {  	[sflag:s12] =	ssyncset.done $0x0  }
0x35: {  	[sflag:s12] =	ssyncadd.s32 $0xFFFFF300  }
0x36: {  	[tilespmem:s21], [sflag:$0x1] =	stream.indirect.gather [hbm4b:s4+s20], $0x10, s19, s20, $0xb8;
	[tilespmem:$0x1AD80] =	vst v63  }
0x37: {  	s22 =	sadd.s32 $0x1, s22;
	_ =	swait.ge [sflag:s15], $0xD000  }
0x38: {  	p0 =	sne.s32 s22, s10;
	[sflag:s15] =	ssyncset.done $0x0  }
.Ltmp1:
0x39: {  	[sflag:s15] =	ssyncadd.s32 $0xFFFF3000;
	(pc) =	sbr.rel @p0 .LBB2_1-.Ltmp1, $4  }
0x3a: {  	[hbm4b:s9+s2] =	stream.linear.scatter [tilespmem:s21], [sflag:$0x2], $0xD000, $0x38;
	[tilespmem:$0x1AD80] =	vst v63  }
0x3b: {  	_ =	swait.ge [sflag:s12], $0xD000  }
0x3c: {  	[sflag:s12] =	ssyncset.done $0x0  }
0x3d: {  	[sflag:s12] =	ssyncadd.s32 $0xFFFF3000  }
0x3e: {  	_ =	sfence.sel $0x180000  }
0x3f: {  	[bflag:$0x0] =	sbarrier.arrive $0xFFFF  }
0x40: {  	p0 =	sne.s32 s0, $0x0;
	_ =	strace $0x90000047  }
0x41: {  	s0 =	sadd.s32 @!p0 $0x100000, s1;
	[bflag:$0x2] =	sbarrier.arrive $0xFFFF  }
0x42: {  	[sflag:s0] =	ssyncadd.tile.s32 @!p0 $0x1;
	_ =	shalt  }
.Lfunc_end2:
_tile_overlayer_lowered:
.L_overlay_start_2:
0x43: {  	(tag) =	ssettag $0x2  }
0x44: {  	s0 =	rddreg [dreg:$0x0];
	s2 =	stileid.u32  }
0x45: {  	s1 =	rddreg [dreg:$0x1];
	p0 =	sne.s32 s2, $0x0  }
0x46: {  	s3 =	rddreg [dreg:$0x2];
	[bflag:$0x3] =	sbarrier.arrive $0xFFFF;
	s2 =	simm.s32 @!p0 $0x1C02  }
0x47: {  	[timem:s3], [sflag:s2] =	dma.local @!p0 [hbm:s0], s1  }
0x48: {  	s0 =	simm.s32 @!p0 $0x2  }
0x49: {  	_ =	swait.ge @!p0 [sflag:s0], s1  }
0x4a: {  	s1 =	ssub.s32 @!p0 $0x0, s1;
	[sflag:s0] =	ssyncset.done @!p0 $0x0  }
0x4b: {  	[sflag:s0] =	ssyncadd.s32 @!p0 s1  }
0x4c: {  	[bflag:$0x3] =	sbarrier.arrive $0xFFFF  }
0x4d: {  	_ =	shalt  }

</sc_bundles>
